<compile_context>
chip_gen: v7x
topology: tpu7x:2x2x1
jax: 0.10.2.dev20260603
libtpu: 0.0.44.dev20260713+nightly
codegen_flags: <defaults>
</compile_context>

<pallas_src>
import dataclasses
import functools

import jax
import jax.numpy as jnp
from jax import lax
from jax.experimental import pallas as pl
from jax.experimental.pallas import tpu as pltpu
from jax.experimental.pallas import tpu_sc as plsc

NS = 16
CHUNK = 128


def _sc_aggregate(h, src, dst, npad, npt, iters):
    d = h.shape[1]
    zero_rows = jnp.zeros((npt, d), jnp.float32)
    zero_hist = jnp.zeros((npad,), jnp.float32)

    cp = pltpu.CompilerParams()
    if "needs_layout_passes" in pltpu.CompilerParams.__dataclass_fields__:
        cp = dataclasses.replace(cp, needs_layout_passes=False)

    @functools.partial(
        pl.kernel,
        out_type=[
            jax.ShapeDtypeStruct((npad, d), jnp.float32),
            jax.ShapeDtypeStruct((NS, 1, npad), jnp.float32),
        ],
        mesh=plsc.VectorSubcoreMesh(core_axis_name="c", subcore_axis_name="s",
                                    num_cores=1),
        compiler_params=cp,
        scratch_types=[
            pltpu.VMEM((CHUNK,), jnp.int32),
            pltpu.VMEM((CHUNK,), jnp.int32),
            pltpu.VMEM((CHUNK,), jnp.int32),
            pltpu.VMEM((CHUNK,), jnp.int32),
            pltpu.VMEM((CHUNK, d), jnp.float32),
            pltpu.VMEM((npad,), jnp.float32),
            pltpu.VMEM_SHARED((npad, d), jnp.float32),
            pltpu.SemaphoreType.DMA,
        ],
    )
    def k(h_hbm, src_hbm, dst_hbm, z_hbm, zh_hbm, out_hbm, deg_hbm,
          sidx0, sidx1, didx0, didx1, rows, hist, acc, sem):
        sid = lax.axis_index("s")
        sl = pl.ds(sid * npt, npt)
        pltpu.sync_copy(z_hbm, acc.at[sl])
        pltpu.sync_copy(zh_hbm, hist)
        plsc.subcore_barrier()

        sidx = (sidx0, sidx1)
        didx = (didx0, didx1)
        ones16 = jnp.ones((16,), jnp.float32)

        def stage(c, p):
            off = pl.multiple_of(c * CHUNK, 128)
            pltpu.sync_copy(src_hbm.at[pl.ds(off, CHUNK)], sidx[p])
            pltpu.sync_copy(dst_hbm.at[pl.ds(off, CHUNK)], didx[p])

        def step(i, p):
            g = pltpu.async_copy(h_hbm.at[sidx[p]], rows, sem)
            stage((i + 1) * NS + sid, 1 - p)
            for j in range(CHUNK // 16):
                v = didx[p][pl.ds(j * 16, 16)]
                plsc.addupdate_scatter(hist, [v], ones16)
            g.wait()
            pltpu.sync_copy(rows, acc.at[didx[p]], add=True)

        stage(sid, 0)

        @pl.loop(0, iters, step=2)
        def _(i):
            step(i, 0)
            step(i + 1, 1)

        plsc.subcore_barrier()
        pltpu.sync_copy(acc.at[sl], out_hbm.at[sl])
        pltpu.sync_copy(hist, deg_hbm.at[sid].at[0])

    return k(h, src, dst, zero_rows, zero_hist)


def _res_body(h_ref, wrt_ref, b_ref, o_ref):
    o_ref[...] = jnp.dot(h_ref[...], wrt_ref[...],
                         preferred_element_type=jnp.float32) + b_ref[...]


def _tc_residual(h, wrt, b, block):
    n, d = h.shape
    return pl.pallas_call(
        _res_body,
        grid=(n // block,),
        in_specs=[
            pl.BlockSpec((block, d), lambda i: (i, 0)),
            pl.BlockSpec((d, d), lambda i: (0, 0)),
            pl.BlockSpec((1, d), lambda i: (0, 0)),
        ],
        out_specs=pl.BlockSpec((block, d), lambda i: (i, 0)),
        out_shape=jax.ShapeDtypeStruct((n, d), jnp.float32),
    )(h, wrt, b)


def _fin_body(res_ref, p_ref, dg_ref, wt_ref, o_ref):
    deg = jnp.sum(dg_ref[...], axis=1, keepdims=True)
    inv = 1.0 / jnp.maximum(deg, 1.0)
    agg = jnp.maximum(
        jnp.dot(p_ref[...] * inv, wt_ref[...],
                preferred_element_type=jnp.float32),
        0.0)
    o_ref[...] = agg + res_ref[...]


def _tc_finalize(res, p, dgt, wt, block):
    n, d = res.shape
    return pl.pallas_call(
        _fin_body,
        grid=(n // block,),
        in_specs=[
            pl.BlockSpec((block, d), lambda i: (i, 0)),
            pl.BlockSpec((block, d), lambda i: (i, 0)),
            pl.BlockSpec((block, NS), lambda i: (i, 0)),
            pl.BlockSpec((d, d), lambda i: (0, 0)),
        ],
        out_specs=pl.BlockSpec((block, d), lambda i: (i, 0)),
        out_shape=jax.ShapeDtypeStruct((n, d), jnp.float32),
    )(res, p, dgt, wt)


def kernel(h, edge_index, W, W_res, b_res):
    n, d = h.shape
    ei = edge_index.astype(jnp.int32)
    src = ei[0]
    dst = ei[1]
    e = src.shape[0]
    group = NS * CHUNK
    iters = -(-e // group)
    iters += iters % 2
    epad = (iters + 1) * group
    src = jnp.concatenate([src, jnp.zeros((epad - e,), jnp.int32)])
    dst = jnp.concatenate([dst, jnp.full((epad - e,), n, jnp.int32)])
    npad = -(-n // (8 * NS)) * 8 * NS
    npt = npad // NS
    assert iters % 2 == 0

    res = _tc_residual(h, W_res.T, b_res.reshape(1, -1), block=1000)
    p, dg = _sc_aggregate(h, src, dst, npad, npt, iters)
    dgt = dg.reshape(NS, npad).T
    return _tc_finalize(res, p, dgt, W.T, block=1000)

# --- scband reference (transcript-rebuilt; emitter-appended) ---
"""Pipeline reference for scband-my-sagemodule-64802466562515 (READ-ONLY COPY).

The authoritative reference and input builder live on the scoring server;
editing this copy changes nothing except your own understanding.
"""

import jax, jax.numpy as jnp
import numpy as np

N_NODES = 10000
N_EDGES = 320000
D_IN = 128
D_OUT = 128

def setup_inputs(seed: int = 0) -> dict:
    key = jax.random.key(seed)
    k1, k2, k3, k4, k5 = jax.random.split(key, 5)
    h = jax.random.normal(k1, (N_NODES, D_IN), dtype=jnp.float32)
    edge_index = jax.random.randint(k2, (2, N_EDGES), 0, N_NODES, dtype=jnp.int64)
    # xavier_uniform with relu gain for linear weights (shape [out, in], torch convention)
    gain = float(np.sqrt(2.0))
    bound_lin = gain * np.sqrt(6.0 / (D_IN + D_OUT))
    W = jax.random.uniform(k3, (D_OUT, D_IN), dtype=jnp.float32, minval=-bound_lin, maxval=bound_lin)
    W_res = jax.random.uniform(k4, (D_OUT, D_IN), dtype=jnp.float32, minval=-bound_lin, maxval=bound_lin)
    b_bound = 1.0 / np.sqrt(D_IN)
    b_res = jax.random.uniform(k5, (D_OUT,), dtype=jnp.float32, minval=-b_bound, maxval=b_bound)
    return {"h": h, "edge_index": edge_index, "W": W, "W_res": W_res, "b_res": b_res}

def reference(h, edge_index, W, W_res, b_res):
    # SAGE with mean aggregation:
    #   f[v] = mean_{u in N_in(v)} h[u]   (0 for isolated nodes, matching DGL)
    #   out  = res_linear(h) + ReLU(linear(f))
    src = edge_index[0]
    dst = edge_index[1]
    n = h.shape[0]
    msgs = jnp.take(h, src, axis=0)                      # gather src features [E, D]
    summed = jax.ops.segment_sum(msgs, dst, num_segments=n)
    deg = jax.ops.segment_sum(jnp.ones((msgs.shape[0],), dtype=h.dtype), dst, num_segments=n)
    mean = summed / jnp.maximum(deg, 1.0)[:, None]       # zero-degree nodes -> 0 (DGL mean semantics)
    h_agg = jax.nn.relu(mean @ W.T)
    out = (h @ W_res.T + b_res) + h_agg
    return out

if __name__ == "__main__":
    import jax
    _d = setup_inputs()
    print(jax.jit(kernel)(*tuple(_d.values())))

</pallas_src>

<mosaic_0001>
#map = affine_map<(d0, d1) -> (0, 0)>
#map1 = affine_map<(d0, d1) -> (0)>
#map2 = affine_map<(d0, d1) -> (0, 0, 0)>
module attributes {stable_mosaic.version = 14 : i64} {
  func.func @k(%arg0: i32, %arg1: i32, %arg2: memref<10000x128xf32, #tpu.memory_space<hbm>>, %arg3: memref<325632xi32, #tpu.memory_space<hbm>>, %arg4: memref<325632xi32, #tpu.memory_space<hbm>>, %arg5: memref<632x128xf32, #tpu.memory_space<hbm>>, %arg6: memref<10112xf32, #tpu.memory_space<hbm>>, %arg7: memref<10112x128xf32, #tpu.memory_space<hbm>>, %arg8: memref<16x1x10112xf32, #tpu.memory_space<hbm>>, %arg9: memref<128xi32, #tpu.memory_space<vmem>>, %arg10: memref<128xi32, #tpu.memory_space<vmem>>, %arg11: memref<128xi32, #tpu.memory_space<vmem>>, %arg12: memref<128xi32, #tpu.memory_space<vmem>>, %arg13: memref<128x128xf32, #tpu.memory_space<vmem>>, %arg14: memref<10112xf32, #tpu.memory_space<vmem>>, %arg15: memref<10112x128xf32, #tpu.memory_space<vmem_shared>>, %arg16: memref<!tpu.dma_semaphore, #tpu.memory_space<semaphore_mem>>) attributes {dimension_semantics = [#tpu.dimension_semantics<core_parallel>, #tpu.dimension_semantics<subcore_parallel>], iteration_bounds = array<i64: 1, 16>, scalar_prefetch = 0 : i64, scratch_operands = 8 : i64, tpu.core_type = #tpu.core_type<sc_vector_subcore>, window_params = [{transform_indices = #map}, {transform_indices = #map1}, {transform_indices = #map1}, {transform_indices = #map}, {transform_indices = #map1}, {transform_indices = #map}, {transform_indices = #map2}]} {
    %mul3A = arith.constant 632 : i32
    %mul3A_0 = arith.muli %arg1, %mul3A : i32
    "tpu.region"() ({
      %run_scoped3A_9 = tpu.sem_alloc : memref<!tpu.dma_semaphore, #tpu.memory_space<semaphore_mem>>
      %dma_start3A = arith.constant 0 : i32
      %dma_start3A_10 = tpu.memref_slice %arg15[%mul3A_0, %dma_start3A] : memref<10112x128xf32, #tpu.memory_space<vmem_shared>> -> memref<632x128xf32, #tpu.memory_space<vmem_shared>>
      tpu.enqueue_dma source(%arg5 : memref<632x128xf32, #tpu.memory_space<hbm>>) target(%dma_start3A_10 : memref<632x128xf32, #tpu.memory_space<vmem_shared>>) target_semaphore(%run_scoped3A_9 : memref<!tpu.dma_semaphore, #tpu.memory_space<semaphore_mem>>)
      %dma_wait3A = arith.constant 0 : i32
      %dma_wait3A_11 = tpu.memref_slice %arg15[%mul3A_0, %dma_wait3A] : memref<10112x128xf32, #tpu.memory_space<vmem_shared>> -> memref<632x128xf32, #tpu.memory_space<vmem_shared>>
      tpu.wait_dma2 semaphore(%run_scoped3A_9 : memref<!tpu.dma_semaphore, #tpu.memory_space<semaphore_mem>>) src(%arg5 : memref<632x128xf32, #tpu.memory_space<hbm>>) dst(%dma_wait3A_11 : memref<632x128xf32, #tpu.memory_space<vmem_shared>>)
      tpu.yield
    }) : () -> ()
    "tpu.region"() ({
      %run_scoped3A_9 = tpu.sem_alloc : memref<!tpu.dma_semaphore, #tpu.memory_space<semaphore_mem>>
      tpu.enqueue_dma source(%arg6 : memref<10112xf32, #tpu.memory_space<hbm>>) target(%arg14 : memref<10112xf32, #tpu.memory_space<vmem>>) target_semaphore(%run_scoped3A_9 : memref<!tpu.dma_semaphore, #tpu.memory_space<semaphore_mem>>)
      tpu.wait_dma2 semaphore(%run_scoped3A_9 : memref<!tpu.dma_semaphore, #tpu.memory_space<semaphore_mem>>) src(%arg6 : memref<10112xf32, #tpu.memory_space<hbm>>) dst(%arg14 : memref<10112xf32, #tpu.memory_space<vmem>>)
      tpu.yield
    }) : () -> ()
    %barrier3A = arith.constant 0 : index
    tpu.barrier barrier_id(%barrier3A)
    %broadcast_in_dim3A = arith.constant 1.000000e+00 : f32
    %broadcast_in_dim3A_1 = vector.broadcast %broadcast_in_dim3A : f32 to vector<16xf32>
    %mul3A_2 = arith.constant 128 : i32
    %mul3A_3 = arith.muli %arg1, %mul3A_2 : i32
    %multiple_of3A = tpu.assume_multiple %mul3A_3, 128 : i32
    "tpu.region"() ({
      %run_scoped3A_9 = tpu.sem_alloc : memref<!tpu.dma_semaphore, #tpu.memory_space<semaphore_mem>>
      %dma_start3A = tpu.memref_slice %arg3[%multiple_of3A] : memref<325632xi32, #tpu.memory_space<hbm>> -> memref<128xi32, #tpu.memory_space<hbm>>
      %dma_start3A_10 = tpu.memref_slice %arg3[%multiple_of3A] : memref<325632xi32, #tpu.memory_space<hbm>> -> memref<128xi32, #tpu.memory_space<hbm>>
      tpu.enqueue_dma source(%dma_start3A_10 : memref<128xi32, #tpu.memory_space<hbm>>) target(%arg9 : memref<128xi32, #tpu.memory_space<vmem>>) target_semaphore(%run_scoped3A_9 : memref<!tpu.dma_semaphore, #tpu.memory_space<semaphore_mem>>)
      %dma_wait3A = tpu.memref_slice %arg3[%multiple_of3A] : memref<325632xi32, #tpu.memory_space<hbm>> -> memref<128xi32, #tpu.memory_space<hbm>>
      %dma_wait3A_11 = tpu.memref_slice %arg3[%multiple_of3A] : memref<325632xi32, #tpu.memory_space<hbm>> -> memref<128xi32, #tpu.memory_space<hbm>>
      tpu.wait_dma2 semaphore(%run_scoped3A_9 : memref<!tpu.dma_semaphore, #tpu.memory_space<semaphore_mem>>) src(%dma_wait3A_11 : memref<128xi32, #tpu.memory_space<hbm>>) dst(%arg9 : memref<128xi32, #tpu.memory_space<vmem>>)
      tpu.yield
    }) : () -> ()
    "tpu.region"() ({
      %run_scoped3A_9 = tpu.sem_alloc : memref<!tpu.dma_semaphore, #tpu.memory_space<semaphore_mem>>
      %dma_start3A = tpu.memref_slice %arg4[%multiple_of3A] : memref<325632xi32, #tpu.memory_space<hbm>> -> memref<128xi32, #tpu.memory_space<hbm>>
      %dma_start3A_10 = tpu.memref_slice %arg4[%multiple_of3A] : memref<325632xi32, #tpu.memory_space<hbm>> -> memref<128xi32, #tpu.memory_space<hbm>>
      tpu.enqueue_dma source(%dma_start3A_10 : memref<128xi32, #tpu.memory_space<hbm>>) target(%arg11 : memref<128xi32, #tpu.memory_space<vmem>>) target_semaphore(%run_scoped3A_9 : memref<!tpu.dma_semaphore, #tpu.memory_space<semaphore_mem>>)
      %dma_wait3A = tpu.memref_slice %arg4[%multiple_of3A] : memref<325632xi32, #tpu.memory_space<hbm>> -> memref<128xi32, #tpu.memory_space<hbm>>
      %dma_wait3A_11 = tpu.memref_slice %arg4[%multiple_of3A] : memref<325632xi32, #tpu.memory_space<hbm>> -> memref<128xi32, #tpu.memory_space<hbm>>
      tpu.wait_dma2 semaphore(%run_scoped3A_9 : memref<!tpu.dma_semaphore, #tpu.memory_space<semaphore_mem>>) src(%dma_wait3A_11 : memref<128xi32, #tpu.memory_space<hbm>>) dst(%arg11 : memref<128xi32, #tpu.memory_space<vmem>>)
      tpu.yield
    }) : () -> ()
    %scan3A = arith.constant 0 : i32
    %scan3A_4 = arith.constant 79 : i32
    %scan3A_5 = arith.addi %scan3A, %scan3A_4 : i32
    %scan3A_6 = arith.constant 1 : i32
    scf.for %scan3A_9 = %scan3A to %scan3A_5 step %scan3A_6  : i32 {
      %mul3A_10 = arith.constant 2 : i32
      %mul3A_11 = arith.muli %scan3A_9, %mul3A_10 : i32
      %add3A = arith.constant 0 : i32
      %add3A_12 = arith.addi %add3A, %mul3A_11 : i32
      %dma_start3A = arith.constant 0 : i32
      %dma_start3A_13 = arith.constant 0 : i32
      %dma_start3A_14 = tpu.memref_slice %arg2[%dma_start3A, %dma_start3A_13] : memref<10000x128xf32, #tpu.memory_space<hbm>> -> memref<10000x128xf32, #tpu.memory_space<hbm>>
      tpu.enqueue_indirect_dma source(%dma_start3A_14 : memref<10000x128xf32, #tpu.memory_space<hbm>>) target(%arg13 : memref<128x128xf32, #tpu.memory_space<vmem>>) offsets(%arg9 : memref<128xi32, #tpu.memory_space<vmem>>) semaphore(%arg16 : memref<!tpu.dma_semaphore, #tpu.memory_space<semaphore_mem>>)
      %add3A_15 = arith.constant 1 : i32
      %add3A_16 = arith.addi %add3A_12, %add3A_15 : i32
      %mul3A_17 = arith.constant 16 : i32
      %mul3A_18 = arith.muli %add3A_16, %mul3A_17 : i32
      %add3A_19 = arith.addi %mul3A_18, %arg1 : i32
      %mul3A_20 = arith.constant 128 : i32
      %mul3A_21 = arith.muli %add3A_19, %mul3A_20 : i32
      %multiple_of3A_22 = tpu.assume_multiple %mul3A_21, 128 : i32
      "tpu.region"() ({
        %run_scoped3A_72 = tpu.sem_alloc : memref<!tpu.dma_semaphore, #tpu.memory_space<semaphore_mem>>
        %dma_start3A_73 = tpu.memref_slice %arg3[%multiple_of3A_22] : memref<325632xi32, #tpu.memory_space<hbm>> -> memref<128xi32, #tpu.memory_space<hbm>>
        %dma_start3A_74 = tpu.memref_slice %arg3[%multiple_of3A_22] : memref<325632xi32, #tpu.memory_space<hbm>> -> memref<128xi32, #tpu.memory_space<hbm>>
        tpu.enqueue_dma source(%dma_start3A_74 : memref<128xi32, #tpu.memory_space<hbm>>) target(%arg10 : memref<128xi32, #tpu.memory_space<vmem>>) target_semaphore(%run_scoped3A_72 : memref<!tpu.dma_semaphore, #tpu.memory_space<semaphore_mem>>)
        %dma_wait3A_75 = tpu.memref_slice %arg3[%multiple_of3A_22] : memref<325632xi32, #tpu.memory_space<hbm>> -> memref<128xi32, #tpu.memory_space<hbm>>
        %dma_wait3A_76 = tpu.memref_slice %arg3[%multiple_of3A_22] : memref<325632xi32, #tpu.memory_space<hbm>> -> memref<128xi32, #tpu.memory_space<hbm>>
        tpu.wait_dma2 semaphore(%run_scoped3A_72 : memref<!tpu.dma_semaphore, #tpu.memory_space<semaphore_mem>>) src(%dma_wait3A_76 : memref<128xi32, #tpu.memory_space<hbm>>) dst(%arg10 : memref<128xi32, #tpu.memory_space<vmem>>)
        tpu.yield
      }) : () -> ()
      "tpu.region"() ({
        %run_scoped3A_72 = tpu.sem_alloc : memref<!tpu.dma_semaphore, #tpu.memory_space<semaphore_mem>>
        %dma_start3A_73 = tpu.memref_slice %arg4[%multiple_of3A_22] : memref<325632xi32, #tpu.memory_space<hbm>> -> memref<128xi32, #tpu.memory_space<hbm>>
        %dma_start3A_74 = tpu.memref_slice %arg4[%multiple_of3A_22] : memref<325632xi32, #tpu.memory_space<hbm>> -> memref<128xi32, #tpu.memory_space<hbm>>
        tpu.enqueue_dma source(%dma_start3A_74 : memref<128xi32, #tpu.memory_space<hbm>>) target(%arg12 : memref<128xi32, #tpu.memory_space<vmem>>) target_semaphore(%run_scoped3A_72 : memref<!tpu.dma_semaphore, #tpu.memory_space<semaphore_mem>>)
        %dma_wait3A_75 = tpu.memref_slice %arg4[%multiple_of3A_22] : memref<325632xi32, #tpu.memory_space<hbm>> -> memref<128xi32, #tpu.memory_space<hbm>>
        %dma_wait3A_76 = tpu.memref_slice %arg4[%multiple_of3A_22] : memref<325632xi32, #tpu.memory_space<hbm>> -> memref<128xi32, #tpu.memory_space<hbm>>
        tpu.wait_dma2 semaphore(%run_scoped3A_72 : memref<!tpu.dma_semaphore, #tpu.memory_space<semaphore_mem>>) src(%dma_wait3A_76 : memref<128xi32, #tpu.memory_space<hbm>>) dst(%arg12 : memref<128xi32, #tpu.memory_space<vmem>>)
        tpu.yield
      }) : () -> ()
      %get3A = arith.constant 0 : index
      %get3A_23 = tpu.vector_load %arg11[%get3A] {strides = array<i32>} : memref<128xi32, #tpu.memory_space<vmem>>, vector<16xi32>,
      tpu.vector_store_idx %arg14[%get3A_23], %broadcast_in_dim3A_1 {add = true} : memref<10112xf32, #tpu.memory_space<vmem>>[vector<16xi32>], vector<16xf32>,
      %get3A_24 = arith.constant 16 : index
      %get3A_25 = tpu.vector_load %arg11[%get3A_24] {strides = array<i32>} : memref<128xi32, #tpu.memory_space<vmem>>, vector<16xi32>,
      tpu.vector_store_idx %arg14[%get3A_25], %broadcast_in_dim3A_1 {add = true} : memref<10112xf32, #tpu.memory_space<vmem>>[vector<16xi32>], vector<16xf32>,
      %get3A_26 = arith.constant 32 : index
      %get3A_27 = tpu.vector_load %arg11[%get3A_26] {strides = array<i32>} : memref<128xi32, #tpu.memory_space<vmem>>, vector<16xi32>,
      tpu.vector_store_idx %arg14[%get3A_27], %broadcast_in_dim3A_1 {add = true} : memref<10112xf32, #tpu.memory_space<vmem>>[vector<16xi32>], vector<16xf32>,
      %get3A_28 = arith.constant 48 : index
      %get3A_29 = tpu.vector_load %arg11[%get3A_28] {strides = array<i32>} : memref<128xi32, #tpu.memory_space<vmem>>, vector<16xi32>,
      tpu.vector_store_idx %arg14[%get3A_29], %broadcast_in_dim3A_1 {add = true} : memref<10112xf32, #tpu.memory_space<vmem>>[vector<16xi32>], vector<16xf32>,
      %get3A_30 = arith.constant 64 : index
      %get3A_31 = tpu.vector_load %arg11[%get3A_30] {strides = array<i32>} : memref<128xi32, #tpu.memory_space<vmem>>, vector<16xi32>,
      tpu.vector_store_idx %arg14[%get3A_31], %broadcast_in_dim3A_1 {add = true} : memref<10112xf32, #tpu.memory_space<vmem>>[vector<16xi32>], vector<16xf32>,
      %get3A_32 = arith.constant 80 : index
      %get3A_33 = tpu.vector_load %arg11[%get3A_32] {strides = array<i32>} : memref<128xi32, #tpu.memory_space<vmem>>, vector<16xi32>,
      tpu.vector_store_idx %arg14[%get3A_33], %broadcast_in_dim3A_1 {add = true} : memref<10112xf32, #tpu.memory_space<vmem>>[vector<16xi32>], vector<16xf32>,
      %get3A_34 = arith.constant 96 : index
      %get3A_35 = tpu.vector_load %arg11[%get3A_34] {strides = array<i32>} : memref<128xi32, #tpu.memory_space<vmem>>, vector<16xi32>,
      tpu.vector_store_idx %arg14[%get3A_35], %broadcast_in_dim3A_1 {add = true} : memref<10112xf32, #tpu.memory_space<vmem>>[vector<16xi32>], vector<16xf32>,
      %get3A_36 = arith.constant 112 : index
      %get3A_37 = tpu.vector_load %arg11[%get3A_36] {strides = array<i32>} : memref<128xi32, #tpu.memory_space<vmem>>, vector<16xi32>,
      tpu.vector_store_idx %arg14[%get3A_37], %broadcast_in_dim3A_1 {add = true} : memref<10112xf32, #tpu.memory_space<vmem>>[vector<16xi32>], vector<16xf32>,
      %dma_wait3A = arith.constant 0 : i32
      %dma_wait3A_38 = arith.constant 0 : i32
      %dma_wait3A_39 = tpu.memref_slice %arg2[%dma_wait3A, %dma_wait3A_38] : memref<10000x128xf32, #tpu.memory_space<hbm>> -> memref<10000x128xf32, #tpu.memory_space<hbm>>
      tpu.wait_indirect_dma semaphore(%arg16 : memref<!tpu.dma_semaphore, #tpu.memory_space<semaphore_mem>>) src(%dma_wait3A_39 : memref<10000x128xf32, #tpu.memory_space<hbm>>) dst(%arg13 : memref<128x128xf32, #tpu.memory_space<vmem>>)
      "tpu.region"() ({
        %run_scoped3A_72 = tpu.sem_alloc : memref<!tpu.dma_semaphore, #tpu.memory_space<semaphore_mem>>
        %dma_start3A_73 = arith.constant 0 : i32
        %dma_start3A_74 = arith.constant 0 : i32
        %dma_start3A_75 = tpu.memref_slice %arg15[%dma_start3A_73, %dma_start3A_74] : memref<10112x128xf32, #tpu.memory_space<vmem_shared>> -> memref<10112x128xf32, #tpu.memory_space<vmem_shared>>
        tpu.enqueue_indirect_dma source(%arg13 : memref<128x128xf32, #tpu.memory_space<vmem>>) target(%dma_start3A_75 : memref<10112x128xf32, #tpu.memory_space<vmem_shared>>) offsets(%arg11 : memref<128xi32, #tpu.memory_space<vmem>>) semaphore(%run_scoped3A_72 : memref<!tpu.dma_semaphore, #tpu.memory_space<semaphore_mem>>) {add = true}
        %dma_wait3A_76 = arith.constant 0 : i32
        %dma_wait3A_77 = arith.constant 0 : i32
        %dma_wait3A_78 = tpu.memref_slice %arg15[%dma_wait3A_76, %dma_wait3A_77] : memref<10112x128xf32, #tpu.memory_space<vmem_shared>> -> memref<10112x128xf32, #tpu.memory_space<vmem_shared>>
        tpu.wait_indirect_dma semaphore(%run_scoped3A_72 : memref<!tpu.dma_semaphore, #tpu.memory_space<semaphore_mem>>) src(%arg13 : memref<128x128xf32, #tpu.memory_space<vmem>>) dst(%dma_wait3A_78 : memref<10112x128xf32, #tpu.memory_space<vmem_shared>>)
        tpu.yield
      }) : () -> ()
      %add3A_40 = arith.constant 1 : i32
      %add3A_41 = arith.addi %add3A_12, %add3A_40 : i32
      %dma_start3A_42 = arith.constant 0 : i32
      %dma_start3A_43 = arith.constant 0 : i32
      %dma_start3A_44 = tpu.memref_slice %arg2[%dma_start3A_42, %dma_start3A_43] : memref<10000x128xf32, #tpu.memory_space<hbm>> -> memref<10000x128xf32, #tpu.memory_space<hbm>>
      tpu.enqueue_indirect_dma source(%dma_start3A_44 : memref<10000x128xf32, #tpu.memory_space<hbm>>) target(%arg13 : memref<128x128xf32, #tpu.memory_space<vmem>>) offsets(%arg10 : memref<128xi32, #tpu.memory_space<vmem>>) semaphore(%arg16 : memref<!tpu.dma_semaphore, #tpu.memory_space<semaphore_mem>>)
      %add3A_45 = arith.constant 1 : i32
      %add3A_46 = arith.addi %add3A_41, %add3A_45 : i32
      %mul3A_47 = arith.constant 16 : i32
      %mul3A_48 = arith.muli %add3A_46, %mul3A_47 : i32
      %add3A_49 = arith.addi %mul3A_48, %arg1 : i32
      %mul3A_50 = arith.constant 128 : i32
      %mul3A_51 = arith.muli %add3A_49, %mul3A_50 : i32
      %multiple_of3A_52 = tpu.assume_multiple %mul3A_51, 128 : i32
      "tpu.region"() ({
        %run_scoped3A_72 = tpu.sem_alloc : memref<!tpu.dma_semaphore, #tpu.memory_space<semaphore_mem>>
        %dma_start3A_73 = tpu.memref_slice %arg3[%multiple_of3A_52] : memref<325632xi32, #tpu.memory_space<hbm>> -> memref<128xi32, #tpu.memory_space<hbm>>
        %dma_start3A_74 = tpu.memref_slice %arg3[%multiple_of3A_52] : memref<325632xi32, #tpu.memory_space<hbm>> -> memref<128xi32, #tpu.memory_space<hbm>>
        tpu.enqueue_dma source(%dma_start3A_74 : memref<128xi32, #tpu.memory_space<hbm>>) target(%arg9 : memref<128xi32, #tpu.memory_space<vmem>>) target_semaphore(%run_scoped3A_72 : memref<!tpu.dma_semaphore, #tpu.memory_space<semaphore_mem>>)
        %dma_wait3A_75 = tpu.memref_slice %arg3[%multiple_of3A_52] : memref<325632xi32, #tpu.memory_space<hbm>> -> memref<128xi32, #tpu.memory_space<hbm>>
        %dma_wait3A_76 = tpu.memref_slice %arg3[%multiple_of3A_52] : memref<325632xi32, #tpu.memory_space<hbm>> -> memref<128xi32, #tpu.memory_space<hbm>>
        tpu.wait_dma2 semaphore(%run_scoped3A_72 : memref<!tpu.dma_semaphore, #tpu.memory_space<semaphore_mem>>) src(%dma_wait3A_76 : memref<128xi32, #tpu.memory_space<hbm>>) dst(%arg9 : memref<128xi32, #tpu.memory_space<vmem>>)
        tpu.yield
      }) : () -> ()
      "tpu.region"() ({
        %run_scoped3A_72 = tpu.sem_alloc : memref<!tpu.dma_semaphore, #tpu.memory_space<semaphore_mem>>
        %dma_start3A_73 = tpu.memref_slice %arg4[%multiple_of3A_52] : memref<325632xi32, #tpu.memory_space<hbm>> -> memref<128xi32, #tpu.memory_space<hbm>>
        %dma_start3A_74 = tpu.memref_slice %arg4[%multiple_of3A_52] : memref<325632xi32, #tpu.memory_space<hbm>> -> memref<128xi32, #tpu.memory_space<hbm>>
        tpu.enqueue_dma source(%dma_start3A_74 : memref<128xi32, #tpu.memory_space<hbm>>) target(%arg11 : memref<128xi32, #tpu.memory_space<vmem>>) target_semaphore(%run_scoped3A_72 : memref<!tpu.dma_semaphore, #tpu.memory_space<semaphore_mem>>)
        %dma_wait3A_75 = tpu.memref_slice %arg4[%multiple_of3A_52] : memref<325632xi32, #tpu.memory_space<hbm>> -> memref<128xi32, #tpu.memory_space<hbm>>
        %dma_wait3A_76 = tpu.memref_slice %arg4[%multiple_of3A_52] : memref<325632xi32, #tpu.memory_space<hbm>> -> memref<128xi32, #tpu.memory_space<hbm>>
        tpu.wait_dma2 semaphore(%run_scoped3A_72 : memref<!tpu.dma_semaphore, #tpu.memory_space<semaphore_mem>>) src(%dma_wait3A_76 : memref<128xi32, #tpu.memory_space<hbm>>) dst(%arg11 : memref<128xi32, #tpu.memory_space<vmem>>)
        tpu.yield
      }) : () -> ()
      %get3A_53 = arith.constant 0 : index
      %get3A_54 = tpu.vector_load %arg12[%get3A_53] {strides = array<i32>} : memref<128xi32, #tpu.memory_space<vmem>>, vector<16xi32>,
      tpu.vector_store_idx %arg14[%get3A_54], %broadcast_in_dim3A_1 {add = true} : memref<10112xf32, #tpu.memory_space<vmem>>[vector<16xi32>], vector<16xf32>,
      %get3A_55 = arith.constant 16 : index
      %get3A_56 = tpu.vector_load %arg12[%get3A_55] {strides = array<i32>} : memref<128xi32, #tpu.memory_space<vmem>>, vector<16xi32>,
      tpu.vector_store_idx %arg14[%get3A_56], %broadcast_in_dim3A_1 {add = true} : memref<10112xf32, #tpu.memory_space<vmem>>[vector<16xi32>], vector<16xf32>,
      %get3A_57 = arith.constant 32 : index
      %get3A_58 = tpu.vector_load %arg12[%get3A_57] {strides = array<i32>} : memref<128xi32, #tpu.memory_space<vmem>>, vector<16xi32>,
      tpu.vector_store_idx %arg14[%get3A_58], %broadcast_in_dim3A_1 {add = true} : memref<10112xf32, #tpu.memory_space<vmem>>[vector<16xi32>], vector<16xf32>,
      %get3A_59 = arith.constant 48 : index
      %get3A_60 = tpu.vector_load %arg12[%get3A_59] {strides = array<i32>} : memref<128xi32, #tpu.memory_space<vmem>>, vector<16xi32>,
      tpu.vector_store_idx %arg14[%get3A_60], %broadcast_in_dim3A_1 {add = true} : memref<10112xf32, #tpu.memory_space<vmem>>[vector<16xi32>], vector<16xf32>,
      %get3A_61 = arith.constant 64 : index
      %get3A_62 = tpu.vector_load %arg12[%get3A_61] {strides = array<i32>} : memref<128xi32, #tpu.memory_space<vmem>>, vector<16xi32>,
      tpu.vector_store_idx %arg14[%get3A_62], %broadcast_in_dim3A_1 {add = true} : memref<10112xf32, #tpu.memory_space<vmem>>[vector<16xi32>], vector<16xf32>,
      %get3A_63 = arith.constant 80 : index
      %get3A_64 = tpu.vector_load %arg12[%get3A_63] {strides = array<i32>} : memref<128xi32, #tpu.memory_space<vmem>>, vector<16xi32>,
      tpu.vector_store_idx %arg14[%get3A_64], %broadcast_in_dim3A_1 {add = true} : memref<10112xf32, #tpu.memory_space<vmem>>[vector<16xi32>], vector<16xf32>,
      %get3A_65 = arith.constant 96 : index
      %get3A_66 = tpu.vector_load %arg12[%get3A_65] {strides = array<i32>} : memref<128xi32, #tpu.memory_space<vmem>>, vector<16xi32>,
      tpu.vector_store_idx %arg14[%get3A_66], %broadcast_in_dim3A_1 {add = true} : memref<10112xf32, #tpu.memory_space<vmem>>[vector<16xi32>], vector<16xf32>,
      %get3A_67 = arith.constant 112 : index
      %get3A_68 = tpu.vector_load %arg12[%get3A_67] {strides = array<i32>} : memref<128xi32, #tpu.memory_space<vmem>>, vector<16xi32>,
      tpu.vector_store_idx %arg14[%get3A_68], %broadcast_in_dim3A_1 {add = true} : memref<10112xf32, #tpu.memory_space<vmem>>[vector<16xi32>], vector<16xf32>,
      %dma_wait3A_69 = arith.constant 0 : i32
      %dma_wait3A_70 = arith.constant 0 : i32
      %dma_wait3A_71 = tpu.memref_slice %arg2[%dma_wait3A_69, %dma_wait3A_70] : memref<10000x128xf32, #tpu.memory_space<hbm>> -> memref<10000x128xf32, #tpu.memory_space<hbm>>
      tpu.wait_indirect_dma semaphore(%arg16 : memref<!tpu.dma_semaphore, #tpu.memory_space<semaphore_mem>>) src(%dma_wait3A_71 : memref<10000x128xf32, #tpu.memory_space<hbm>>) dst(%arg13 : memref<128x128xf32, #tpu.memory_space<vmem>>)
      "tpu.region"() ({
        %run_scoped3A_72 = tpu.sem_alloc : memref<!tpu.dma_semaphore, #tpu.memory_space<semaphore_mem>>
        %dma_start3A_73 = arith.constant 0 : i32
        %dma_start3A_74 = arith.constant 0 : i32
        %dma_start3A_75 = tpu.memref_slice %arg15[%dma_start3A_73, %dma_start3A_74] : memref<10112x128xf32, #tpu.memory_space<vmem_shared>> -> memref<10112x128xf32, #tpu.memory_space<vmem_shared>>
        tpu.enqueue_indirect_dma source(%arg13 : memref<128x128xf32, #tpu.memory_space<vmem>>) target(%dma_start3A_75 : memref<10112x128xf32, #tpu.memory_space<vmem_shared>>) offsets(%arg12 : memref<128xi32, #tpu.memory_space<vmem>>) semaphore(%run_scoped3A_72 : memref<!tpu.dma_semaphore, #tpu.memory_space<semaphore_mem>>) {add = true}
        %dma_wait3A_76 = arith.constant 0 : i32
        %dma_wait3A_77 = arith.constant 0 : i32
        %dma_wait3A_78 = tpu.memref_slice %arg15[%dma_wait3A_76, %dma_wait3A_77] : memref<10112x128xf32, #tpu.memory_space<vmem_shared>> -> memref<10112x128xf32, #tpu.memory_space<vmem_shared>>
        tpu.wait_indirect_dma semaphore(%run_scoped3A_72 : memref<!tpu.dma_semaphore, #tpu.memory_space<semaphore_mem>>) src(%arg13 : memref<128x128xf32, #tpu.memory_space<vmem>>) dst(%dma_wait3A_78 : memref<10112x128xf32, #tpu.memory_space<vmem_shared>>)
        tpu.yield
      }) : () -> ()
    }
    %scan3A_7 = arith.constant 79 : i32
    %barrier3A_8 = arith.constant 0 : index
    tpu.barrier barrier_id(%barrier3A_8)
    "tpu.region"() ({
      %run_scoped3A_9 = tpu.sem_alloc : memref<!tpu.dma_semaphore, #tpu.memory_space<semaphore_mem>>
      %dma_start3A = arith.constant 0 : i32
      %dma_start3A_10 = tpu.memref_slice %arg7[%mul3A_0, %dma_start3A] : memref<10112x128xf32, #tpu.memory_space<hbm>> -> memref<632x128xf32, #tpu.memory_space<hbm>>
      %dma_start3A_11 = arith.constant 0 : i32
      %dma_start3A_12 = tpu.memref_slice %arg15[%mul3A_0, %dma_start3A_11] : memref<10112x128xf32, #tpu.memory_space<vmem_shared>> -> memref<632x128xf32, #tpu.memory_space<vmem_shared>>
      tpu.enqueue_dma source(%dma_start3A_12 : memref<632x128xf32, #tpu.memory_space<vmem_shared>>) target(%dma_start3A_10 : memref<632x128xf32, #tpu.memory_space<hbm>>) target_semaphore(%run_scoped3A_9 : memref<!tpu.dma_semaphore, #tpu.memory_space<semaphore_mem>>)
      %dma_wait3A = arith.constant 0 : i32
      %dma_wait3A_13 = tpu.memref_slice %arg7[%mul3A_0, %dma_wait3A] : memref<10112x128xf32, #tpu.memory_space<hbm>> -> memref<632x128xf32, #tpu.memory_space<hbm>>
      %dma_wait3A_14 = arith.constant 0 : i32
      %dma_wait3A_15 = tpu.memref_slice %arg15[%mul3A_0, %dma_wait3A_14] : memref<10112x128xf32, #tpu.memory_space<vmem_shared>> -> memref<632x128xf32, #tpu.memory_space<vmem_shared>>
      tpu.wait_dma2 semaphore(%run_scoped3A_9 : memref<!tpu.dma_semaphore, #tpu.memory_space<semaphore_mem>>) src(%dma_wait3A_15 : memref<632x128xf32, #tpu.memory_space<vmem_shared>>) dst(%dma_wait3A_13 : memref<632x128xf32, #tpu.memory_space<hbm>>)
      tpu.yield
    }) : () -> ()
    %run_scoped3A = arith.constant 0 : i32
    "tpu.region"() ({
      %run_scoped3A_9 = tpu.sem_alloc : memref<!tpu.dma_semaphore, #tpu.memory_space<semaphore_mem>>
      %dma_start3A = arith.constant 0 : i32
      %dma_start3A_10 = arith.constant 0 : i32
      %dma_start3A_11 = tpu.memref_slice %arg8[%arg1, %dma_start3A, %dma_start3A_10] : memref<16x1x10112xf32, #tpu.memory_space<hbm>> -> memref<1x1x10112xf32, #tpu.memory_space<hbm>>
      %dma_start3A_12 = tpu.memref_squeeze %dma_start3A_11 : memref<1x1x10112xf32, #tpu.memory_space<hbm>> -> memref<1x10112xf32, #tpu.memory_space<hbm>>
      %dma_start3A_13 = arith.constant 0 : i32
      %dma_start3A_14 = tpu.memref_slice %dma_start3A_12[%run_scoped3A, %dma_start3A_13] : memref<1x10112xf32, #tpu.memory_space<hbm>> -> memref<1x10112xf32, #tpu.memory_space<hbm>>
      %dma_start3A_15 = tpu.memref_squeeze %dma_start3A_14 : memref<1x10112xf32, #tpu.memory_space<hbm>> -> memref<10112xf32, #tpu.memory_space<hbm>>
      %dma_start3A_16 = arith.constant 0 : i32
      %dma_start3A_17 = arith.constant 0 : i32
      %dma_start3A_18 = tpu.memref_slice %arg8[%arg1, %dma_start3A_16, %dma_start3A_17] : memref<16x1x10112xf32, #tpu.memory_space<hbm>> -> memref<1x1x10112xf32, #tpu.memory_space<hbm>>
      %dma_start3A_19 = tpu.memref_squeeze %dma_start3A_18 : memref<1x1x10112xf32, #tpu.memory_space<hbm>> -> memref<1x10112xf32, #tpu.memory_space<hbm>>
      %dma_start3A_20 = arith.constant 0 : i32
      %dma_start3A_21 = tpu.memref_slice %dma_start3A_19[%run_scoped3A, %dma_start3A_20] : memref<1x10112xf32, #tpu.memory_space<hbm>> -> memref<1x10112xf32, #tpu.memory_space<hbm>>
      %dma_start3A_22 = tpu.memref_squeeze %dma_start3A_21 : memref<1x10112xf32, #tpu.memory_space<hbm>> -> memref<10112xf32, #tpu.memory_space<hbm>>
      tpu.enqueue_dma source(%arg14 : memref<10112xf32, #tpu.memory_space<vmem>>) target(%dma_start3A_22 : memref<10112xf32, #tpu.memory_space<hbm>>) target_semaphore(%run_scoped3A_9 : memref<!tpu.dma_semaphore, #tpu.memory_space<semaphore_mem>>)
      %dma_wait3A = arith.constant 0 : i32
      %dma_wait3A_23 = arith.constant 0 : i32
      %dma_wait3A_24 = tpu.memref_slice %arg8[%arg1, %dma_wait3A, %dma_wait3A_23] : memref<16x1x10112xf32, #tpu.memory_space<hbm>> -> memref<1x1x10112xf32, #tpu.memory_space<hbm>>
      %dma_wait3A_25 = tpu.memref_squeeze %dma_wait3A_24 : memref<1x1x10112xf32, #tpu.memory_space<hbm>> -> memref<1x10112xf32, #tpu.memory_space<hbm>>
      %dma_wait3A_26 = arith.constant 0 : i32
      %dma_wait3A_27 = tpu.memref_slice %dma_wait3A_25[%run_scoped3A, %dma_wait3A_26] : memref<1x10112xf32, #tpu.memory_space<hbm>> -> memref<1x10112xf32, #tpu.memory_space<hbm>>
      %dma_wait3A_28 = tpu.memref_squeeze %dma_wait3A_27 : memref<1x10112xf32, #tpu.memory_space<hbm>> -> memref<10112xf32, #tpu.memory_space<hbm>>
      %dma_wait3A_29 = arith.constant 0 : i32
      %dma_wait3A_30 = arith.constant 0 : i32
      %dma_wait3A_31 = tpu.memref_slice %arg8[%arg1, %dma_wait3A_29, %dma_wait3A_30] : memref<16x1x10112xf32, #tpu.memory_space<hbm>> -> memref<1x1x10112xf32, #tpu.memory_space<hbm>>
      %dma_wait3A_32 = tpu.memref_squeeze %dma_wait3A_31 : memref<1x1x10112xf32, #tpu.memory_space<hbm>> -> memref<1x10112xf32, #tpu.memory_space<hbm>>
      %dma_wait3A_33 = arith.constant 0 : i32
      %dma_wait3A_34 = tpu.memref_slice %dma_wait3A_32[%run_scoped3A, %dma_wait3A_33] : memref<1x10112xf32, #tpu.memory_space<hbm>> -> memref<1x10112xf32, #tpu.memory_space<hbm>>
      %dma_wait3A_35 = tpu.memref_squeeze %dma_wait3A_34 : memref<1x10112xf32, #tpu.memory_space<hbm>> -> memref<10112xf32, #tpu.memory_space<hbm>>
      tpu.wait_dma2 semaphore(%run_scoped3A_9 : memref<!tpu.dma_semaphore, #tpu.memory_space<semaphore_mem>>) src(%arg14 : memref<10112xf32, #tpu.memory_space<vmem>>) dst(%dma_wait3A_35 : memref<10112xf32, #tpu.memory_space<hbm>>)
      tpu.yield
    }) : () -> ()
    return
  }
}

module attributes {stable_mosaic.version = 14 : i64} {
  func.func @_res_body(%arg0: i32, %arg1: memref<1000x128xf32, #tpu.memory_space<vmem>>, %arg2: memref<128x128xf32, #tpu.memory_space<vmem>>, %arg3: memref<1x128xf32, #tpu.memory_space<vmem>>, %arg4: memref<1000x128xf32, #tpu.memory_space<vmem>>) attributes {dimension_semantics = [#tpu.dimension_semantics<arbitrary>], iteration_bounds = array<i64: 10>, scalar_prefetch = 0 : i64, scratch_operands = 0 : i64, tpu.core_type = #tpu.core_type<tc>, window_params = [{transform_indices = @transform_0, window_bounds = array<i64: 1000, 128>}, {pipeline_mode = #tpu.pipeline_mode<synchronous>, transform_indices = @transform_1, window_bounds = array<i64: 128, 128>}, {pipeline_mode = #tpu.pipeline_mode<synchronous>, transform_indices = @transform_2, window_bounds = array<i64: 1, 128>}, {transform_indices = @transform_3, window_bounds = array<i64: 1000, 128>}]} {
    %get3A = arith.constant 0 : index
    %get3A_0 = arith.constant 0 : index
    %get3A_1 = vector.load %arg1[%get3A, %get3A_0] : memref<1000x128xf32, #tpu.memory_space<vmem>>, vector<1000x128xf32>
    %get3A_2 = arith.constant 0 : index
    %get3A_3 = arith.constant 0 : index
    %get3A_4 = vector.load %arg2[%get3A_2, %get3A_3] : memref<128x128xf32, #tpu.memory_space<vmem>>, vector<128x128xf32>
    %dot_general3A = arith.constant dense<0.000000e+00> : vector<1000x128xf32>
    %dot_general3A_5 = tpu.matmul %get3A_1, %get3A_4, %dot_general3A {dimension_numbers = #tpu.dot_dimension_numbers<[1], [0], [0], [1], [0, 0, 1, 1], [], []>, transpose_lhs_hint = false} : vector<1000x128xf32>, vector<128x128xf32>, vector<1000x128xf32> -> vector<1000x128xf32>
    %get3A_6 = arith.constant 0 : index
    %get3A_7 = arith.constant 0 : index
    %get3A_8 = vector.load %arg3[%get3A_6, %get3A_7] : memref<1x128xf32, #tpu.memory_space<vmem>>, vector<1x128xf32>
    %add3A = vector.broadcast %get3A_8 : vector<1x128xf32> to vector<1000x128xf32>
    %add3A_9 = arith.addf %dot_general3A_5, %add3A : vector<1000x128xf32>
    %swap3A = arith.constant 0 : index
    %swap3A_10 = arith.constant 0 : index
    %swap3A_11 = vector.load %arg4[%swap3A, %swap3A_10] : memref<1000x128xf32, #tpu.memory_space<vmem>>, vector<1000x128xf32>
    tpu.vector_store %arg4[%swap3A, %swap3A_10], %add3A_9 {strides = array<i32>} : memref<1000x128xf32, #tpu.memory_space<vmem>>, vector<1000x128xf32>,
    return
  }
  func.func @transform_0(%arg0: i32) -> (i32, i32) {
    %c0_i32 = arith.constant 0 : i32
    %c0_i32_0 = arith.constant 0 : i32
    return %arg0, %c0_i32 : i32, i32
  }
  func.func @transform_1(%arg0: i32) -> (i32, i32) {
    %c0_i32 = arith.constant 0 : i32
    %c0_i32_0 = arith.constant 0 : i32
    %c0_i32_1 = arith.constant 0 : i32
    return %c0_i32, %c0_i32_0 : i32, i32
  }
  func.func @transform_2(%arg0: i32) -> (i32, i32) {
    %c0_i32 = arith.constant 0 : i32
    %c0_i32_0 = arith.constant 0 : i32
    %c0_i32_1 = arith.constant 0 : i32
    return %c0_i32, %c0_i32_0 : i32, i32
  }
  func.func @transform_3(%arg0: i32) -> (i32, i32) {
    %c0_i32 = arith.constant 0 : i32
    %c0_i32_0 = arith.constant 0 : i32
    return %arg0, %c0_i32 : i32, i32
  }
}

module attributes {stable_mosaic.version = 14 : i64} {
  func.func @_fin_body(%arg0: i32, %arg1: memref<1000x128xf32, #tpu.memory_space<vmem>>, %arg2: memref<1000x128xf32, #tpu.memory_space<vmem>>, %arg3: memref<1000x16xf32, #tpu.memory_space<vmem>>, %arg4: memref<128x128xf32, #tpu.memory_space<vmem>>, %arg5: memref<1000x128xf32, #tpu.memory_space<vmem>>) attributes {dimension_semantics = [#tpu.dimension_semantics<arbitrary>], iteration_bounds = array<i64: 10>, scalar_prefetch = 0 : i64, scratch_operands = 0 : i64, tpu.core_type = #tpu.core_type<tc>, window_params = [{transform_indices = @transform_0, window_bounds = array<i64: 1000, 128>}, {transform_indices = @transform_1, window_bounds = array<i64: 1000, 128>}, {transform_indices = @transform_2, window_bounds = array<i64: 1000, 16>}, {pipeline_mode = #tpu.pipeline_mode<synchronous>, transform_indices = @transform_3, window_bounds = array<i64: 128, 128>}, {transform_indices = @transform_4, window_bounds = array<i64: 1000, 128>}]} {
    %get3A = arith.constant 0 : index
    %get3A_0 = arith.constant 0 : index
    %get3A_1 = vector.load %arg3[%get3A, %get3A_0] : memref<1000x16xf32, #tpu.memory_space<vmem>>, vector<1000x16xf32>
    %reduce_sum3A = arith.constant dense<0.000000e+00> : vector<1000xf32>
    %reduce_sum3A_2 = vector.multi_reduction <add>, %get3A_1, %reduce_sum3A [1] : vector<1000x16xf32> to vector<1000xf32>
    %broadcast_in_dim3A = vector.shape_cast %reduce_sum3A_2 : vector<1000xf32> to vector<1000x1xf32>
    %max3A = arith.constant 1.000000e+00 : f32
    %max3A_3 = vector.broadcast %max3A : f32 to vector<1000x1xf32>
    %max3A_4 = arith.maximumf %broadcast_in_dim3A, %max3A_3 : vector<1000x1xf32>
    %div3A = arith.constant 1.000000e+00 : f32
    %div3A_5 = vector.broadcast %div3A : f32 to vector<1000x1xf32>
    %div3A_6 = arith.divf %div3A_5, %max3A_4 : vector<1000x1xf32>
    %get3A_7 = arith.constant 0 : index
    %get3A_8 = arith.constant 0 : index
    %get3A_9 = vector.load %arg2[%get3A_7, %get3A_8] : memref<1000x128xf32, #tpu.memory_space<vmem>>, vector<1000x128xf32>
    %mul3A = vector.broadcast %div3A_6 : vector<1000x1xf32> to vector<1000x128xf32>
    %mul3A_10 = arith.mulf %get3A_9, %mul3A : vector<1000x128xf32>
    %get3A_11 = arith.constant 0 : index
    %get3A_12 = arith.constant 0 : index
    %get3A_13 = vector.load %arg4[%get3A_11, %get3A_12] : memref<128x128xf32, #tpu.memory_space<vmem>>, vector<128x128xf32>
    %dot_general3A = arith.constant dense<0.000000e+00> : vector<1000x128xf32>
    %dot_general3A_14 = tpu.matmul %mul3A_10, %get3A_13, %dot_general3A {dimension_numbers = #tpu.dot_dimension_numbers<[1], [0], [0], [1], [0, 0, 1, 1], [], []>, transpose_lhs_hint = false} : vector<1000x128xf32>, vector<128x128xf32>, vector<1000x128xf32> -> vector<1000x128xf32>
    %max3A_15 = arith.constant 0.000000e+00 : f32
    %max3A_16 = vector.broadcast %max3A_15 : f32 to vector<1000x128xf32>
    %max3A_17 = arith.maximumf %dot_general3A_14, %max3A_16 : vector<1000x128xf32>
    %get3A_18 = arith.constant 0 : index
    %get3A_19 = arith.constant 0 : index
    %get3A_20 = vector.load %arg1[%get3A_18, %get3A_19] : memref<1000x128xf32, #tpu.memory_space<vmem>>, vector<1000x128xf32>
    %add3A = arith.addf %max3A_17, %get3A_20 : vector<1000x128xf32>
    %swap3A = arith.constant 0 : index
    %swap3A_21 = arith.constant 0 : index
    %swap3A_22 = vector.load %arg5[%swap3A, %swap3A_21] : memref<1000x128xf32, #tpu.memory_space<vmem>>, vector<1000x128xf32>
    tpu.vector_store %arg5[%swap3A, %swap3A_21], %add3A {strides = array<i32>} : memref<1000x128xf32, #tpu.memory_space<vmem>>, vector<1000x128xf32>,
    return
  }
  func.func @transform_0(%arg0: i32) -> (i32, i32) {
    %c0_i32 = arith.constant 0 : i32
    %c0_i32_0 = arith.constant 0 : i32
    return %arg0, %c0_i32 : i32, i32
  }
  func.func @transform_1(%arg0: i32) -> (i32, i32) {
    %c0_i32 = arith.constant 0 : i32
    %c0_i32_0 = arith.constant 0 : i32
    return %arg0, %c0_i32 : i32, i32
  }
  func.func @transform_2(%arg0: i32) -> (i32, i32) {
    %c0_i32 = arith.constant 0 : i32
    %c0_i32_0 = arith.constant 0 : i32
    return %arg0, %c0_i32 : i32, i32
  }
  func.func @transform_3(%arg0: i32) -> (i32, i32) {
    %c0_i32 = arith.constant 0 : i32
    %c0_i32_0 = arith.constant 0 : i32
    %c0_i32_1 = arith.constant 0 : i32
    return %c0_i32, %c0_i32_0 : i32, i32
  }
  func.func @transform_4(%arg0: i32) -> (i32, i32) {
    %c0_i32 = arith.constant 0 : i32
    %c0_i32_0 = arith.constant 0 : i32
    return %arg0, %c0_i32 : i32, i32
  }
}

</mosaic_0001>

<sc_bundles>
// kernel: kernel.5.cloned.1.call-start
scs
__scs_entry_jumppad:
0x0: {  	(pc) =	sbr.rel $0x88, $3  }
0x1: {  	(tag) =	ssettag $0x0;
	lr =	simm.s32 $0x1  }
0x2: {  	[smem:$0x3F9C] =	sst lr;
	_ =	strace $0xD0000000  }
0x3: {  	_ = 	snop  }
0x4: {  	_ = 	snop  }
0x5: {  	_ = 	snop  }
0x6: {  	_ = 	snop  }
0x7: {  	_ = 	snop  }
__scs_overlays_trampoline_lowered:
0x8: {  	[smem:$0x3FAB] =	sst s0  }
0x9: {  	[smem:$0x3FAC] =	sst s1  }
0xa: {  	[smem:$0x3FAD] =	sst s2  }
0xb: {  	[smem:$0x3FAE] =	sst s3  }
0xc: {  	[smem:$0x3FAF] =	sst s4  }
0xd: {  	[smem:$0x3FB0] =	sst s5  }
0xe: {  	[smem:$0x3FB1] =	sst s6  }
0xf: {  	[smem:$0x3FB2] =	sst s7  }
0x10: {  	[smem:$0x3FB3] =	sst s8  }
0x11: {  	[smem:$0x3FB4] =	sst s9;
	s0 =	simm.s32 @!p0 $0x0  }
0x12: {  	s1 =	sld [smem:$0x3F9A];
	s0 =	simm.s32 @p0 $0x1  }
0x13: {  	[smem:$0x3FB5] =	sst s0;
	s0 =	simm.s32 @!p1 $0x0  }
0x14: {  	s2 =	sld [smem:$0x3F99];
	s0 =	simm.s32 @p1 $0x1  }
0x15: {  	[smem:$0x3FB6] =	sst s0;
	s0 =	simm.s32 @!p2 $0x0  }
0x16: {  	s3 =	sld [smem:$0x3FDB];
	s0 =	simm.s32 @p2 $0x1  }
0x17: {  	s4 =	simm.s32 $0x1BF5;
	[smem:$0x3FB8] =	sst s0  }
0x18: {  	s0 =	sld [smem:$0x3F9B];
	_ =	swait.ge [sflag:s4], $0x0  }
0x19: {  	s7 =	sld [smem:$0x3F9C]  }
0x1a: {  	s8 =	sadd.s32 $0xFFFFE003, lr  }
0x1b: {  	s9 =	sadd.s32 $0xFFFFFEF7, lr;
	s5 =	simm.s32 $0xFFFFFFFF;
	p2 =	slt.u32 s8, $0xFFFFF086  }
0x1c: {  	p1 =	slt.u32 s9, $0xF7A;
	s5 =	simm.s32 @!p2 $0x0  }
0x1d: {  	s5 =	simm.s32 @p1 $0x1;
	p0 =	seq.s32 s7, s2  }
0x1e: {  	s7 =	smul.u32 @!p0 $0xF7A, s2;
	p2 =	seq.s32 @!p0 s5, $0x0  }
0x1f: {  	s9 =	smul.u32 $0xF7A, s1;
	s8 =	simm.s32 @!p0 $0x1BF5;
	p2 =	por !p2, p0  }
0x20: {  	[sflag:s8] =	ssyncset.s32 @!p0 $0xFFFFF086;
	s6 =	sadd.s32 @!p0 s3, s7;
	s7 =	simm.s32 @!p0 $0x108  }
0x21: {  	s3 =	sadd.s32 s3, s9;
	s6 =	sadd.s32 @!p0 $0x88, s6;
	s7 =	simm.s32 @p2 $0x1082  }
0x22: {  	[simem:s7], [sflag:s8] =	dma.local @!p0 [hbm:s6], $0xF7A  }
0x23: {  	s9 =	sor.u32 $0xD0000000, s2;
	s6 =	simm.s32 $0x108;
	_ =	swait.ge @!p0 [sflag:s8], $0x0  }
0x24: {  	s3 =	sadd.s32 $0x88, s3;
	s6 =	simm.s32 @!p1 $0x1082;
	[sflag:s4] =	ssyncset.s32 $0xFFFFF086  }
0x25: {  	[simem:s6], [sflag:s4] =	dma.local [hbm:s3], $0xF7A  }
0x26: {  	[smem:$0x3F9C] =	sst s1;
	(tag) =	ssettag s2;
	_ =	strace s9  }
0x27: {  	s1 =	sld [smem:$0x3FAC]  }
0x28: {  	s2 =	sld [smem:$0x3FAD]  }
0x29: {  	s4 =	sld [smem:$0x3FAF]  }
0x2a: {  	p0 =	seq.s32 s5, $0x0;
	s5 =	sld [smem:$0x3FB0]  }
0x2b: {  	s6 =	sld [smem:$0x3FB1]  }
0x2c: {  	s7 =	sld [smem:$0x3FB2]  }
0x2d: {  	s3 =	simm.s32 $0x108;
	s8 =	sld [smem:$0x3FB3]  }
0x2e: {  	s3 =	simm.s32 @!p0 $0x1082;
	s9 =	sld [smem:$0x3FB4]  }
0x2f: {  	lr =	sadd.s32 s0, s3;
	s0 =	sld [smem:$0x3FAB]  }
0x30: {  	s3 =	sld [smem:$0x3FAE]  }
0x31: {  	[smem:$0x3FB7] =	sst s10  }
0x32: {  	s10 =	sld [smem:$0x3FB5];
	_ =	sdelay $0x3  }
0x33: {  	p0 =	seq.s32 s10, $0x1;
	s10 =	sld [smem:$0x3FB7];
	_ =	sdelay $0x3  }
0x34: {  	[smem:$0x3FB7] =	sst s10  }
0x35: {  	s10 =	sld [smem:$0x3FB6];
	_ =	sdelay $0x3  }
0x36: {  	p1 =	seq.s32 s10, $0x1;
	s10 =	sld [smem:$0x3FB7];
	_ =	sdelay $0x3  }
0x37: {  	[smem:$0x3FB7] =	sst s10  }
0x38: {  	s10 =	sld [smem:$0x3FB8]  }
0x39: {  	_ = 	snop;
	(pc) =	sbr.ind lr, $3  }
0x3a: {  	_ = 	snop  }
0x3b: {  	_ = 	snop  }
0x3c: {  	p2 =	seq.s32 s10, $0x1;
	s10 =	sld [smem:$0x3FB7]  }
0x3d: {  	_ =	shalt  }
0x3e: {  	_ =	shalt  }
0x3f: {  	_ =	shalt  }
0x40: {  	_ =	shalt  }
0x41: {  	_ =	shalt  }
0x42: {  	_ =	shalt  }
0x43: {  	_ =	shalt  }
0x44: {  	_ =	shalt  }
0x45: {  	_ =	shalt  }
0x46: {  	_ =	shalt  }
0x47: {  	_ =	shalt  }
0x48: {  	_ =	shalt  }
0x49: {  	_ =	shalt  }
0x4a: {  	_ =	shalt  }
0x4b: {  	_ =	shalt  }
0x4c: {  	_ =	shalt  }
0x4d: {  	_ =	shalt  }
0x4e: {  	_ =	shalt  }
0x4f: {  	_ =	shalt  }
0x50: {  	_ =	shalt  }
0x51: {  	_ =	shalt  }
0x52: {  	_ =	shalt  }
0x53: {  	_ =	shalt  }
0x54: {  	_ =	shalt  }
0x55: {  	_ =	shalt  }
0x56: {  	_ =	shalt  }
0x57: {  	_ =	shalt  }
0x58: {  	_ =	shalt  }
0x59: {  	_ =	shalt  }
0x5a: {  	_ =	shalt  }
0x5b: {  	_ =	shalt  }
0x5c: {  	_ =	shalt  }
0x5d: {  	_ =	shalt  }
0x5e: {  	_ =	shalt  }
0x5f: {  	_ =	shalt  }
0x60: {  	_ =	shalt  }
0x61: {  	_ =	shalt  }
0x62: {  	_ =	shalt  }
0x63: {  	_ =	shalt  }
0x64: {  	_ =	shalt  }
0x65: {  	_ =	shalt  }
0x66: {  	_ =	shalt  }
0x67: {  	_ =	shalt  }
0x68: {  	_ =	shalt  }
0x69: {  	_ =	shalt  }
0x6a: {  	_ =	shalt  }
0x6b: {  	_ =	shalt  }
0x6c: {  	_ =	shalt  }
0x6d: {  	_ =	shalt  }
0x6e: {  	_ =	shalt  }
0x6f: {  	_ =	shalt  }
0x70: {  	_ =	shalt  }
0x71: {  	_ =	shalt  }
0x72: {  	_ =	shalt  }
0x73: {  	_ =	shalt  }
0x74: {  	_ =	shalt  }
0x75: {  	_ =	shalt  }
0x76: {  	_ =	shalt  }
0x77: {  	_ =	shalt  }
0x78: {  	_ =	shalt  }
0x79: {  	_ =	shalt  }
0x7a: {  	_ =	shalt  }
0x7b: {  	_ =	shalt  }
0x7c: {  	_ =	shalt  }
0x7d: {  	_ =	shalt  }
0x7e: {  	_ =	shalt  }
0x7f: {  	_ =	shalt  }
0x80: {  	_ =	shalt  }
0x81: {  	_ =	shalt  }
0x82: {  	_ =	shalt  }
0x83: {  	_ =	shalt  }
0x84: {  	_ =	shalt  }
0x85: {  	_ =	shalt  }
0x86: {  	_ =	shalt  }
0x87: {  	_ =	shalt  }
.Lfunc_end0:
.L_simem_size_0:
called_computation_lowered:
.L_overlay_start_0:
0x88: {  	s0 =	sld [smem:$0x3FD9]  }
0x89: {  	s1 =	sld [smem:$0x3FFE];
	_ =	sdelay $0x3  }
0x8a: {  	s0 =	sadd.s32 s1, s0  }
0x8b: {  	[smem:$0x3FC3] =	sst s0  }
0x8c: {  	_ = 	snop  }
0x8d: {  	s0 =	sld [smem:$0x3FC9]  }
0x8e: {  	s16 =	sld [smem:$0x3FD0];
	(tm) =	ssettm $0x1  }
0x8f: {  	s2 =	sld [smem:$0x3FFB];
	_ =	sdelay $0x3  }
0x90: {  	_ =	strace s2  }
0x91: {  	s2 =	sld [smem:$0x3FFC];
	_ =	sdelay $0x3  }
0x92: {  	_ =	strace s2  }
0x93: {  	s2 =	sld [smem:$0x3FFD];
	_ =	sdelay $0x3  }
0x94: {  	_ =	strace s2  }
0x95: {  	_ =	strace $0x8FFFFFFF  }
0x96: {  	s17 =	sld [smem:$0x3FDB];
	_ =	sdelay $0x1  }
0x97: {  	s3 =	simm.s32 $_scs_section_size  }
0x98: {  	s4 =	simm.s32 $_size__tile_overlayer_lowered;
	s5 =	simm.s32 $_tile_overlayer_lowered  }
0x99: {  	s20 =	simm.s32 $0x1BFF;
	s19 =	sshll.u32 s5, $0x1;
	s2 =	sadd.s32 s3, s17  }
0x9a: {  	s6 =	simm.s32 $0x0;
	s18 =	sshll.u32 s4, $0x1;
	s4 =	sadd.s32 s19, s2  }
0x9b: {  	[timem:s6], [sflag:s20] =	dma.local [hbm:s4], s18  }
0x9c: {  	_ =	swait.ge [sflag:s20], s18  }
0x9d: {  	s3 =	ssub.s32 $0x0, s18;
	[sflag:s20] =	ssyncset.done $0x0  }
0x9e: {  	[sflag:s20] =	ssyncadd.s32 s3;
	_ =	sdelay $0x1  }
0x9f: {  	s21 =	simm.s32 $0x1B8B  }
0xa0: {  	_ =	swait.ge [sflag:s21], $0x1  }
0xa1: {  	[sflag:s21] =	ssyncset.done $0x0  }
0xa2: {  	s23 =	simm.s32 $0x1B8E;
	s22 =	sld [smem:$0x3FFE];
	[sflag:s21] =	ssyncadd.s32 $0xFFFFFFFF  }
0xa3: {  	s24 =	simm.s32 $execute0_lowered;
	[smem:$0x3FD2] =	sst s23  }
0xa4: {  	s4 =	sshll.u32 s24, $0x1;
	_ =	strace $0x80000046;
	[dreg:$0x1] =	wrdreg $0xFFFFFFFF  }
0xa5: {  	s25 =	simm.s32 $_size_execute0_lowered;
	s2 =	sadd.s32 s2, s4;
	[dreg:$0x0] =	wrdreg $0x0  }
0xa6: {  	s4 =	sshll.u32 s25, $0x1;
	[dreg:$0x2] =	wrdreg s2  }
0xa7: {  	[dreg:$0x3] =	wrdreg s4  }
0xa8: {  	[dreg:$0x4] =	wrdreg $0xC0  }
0xa9: {  	_ =	task [dreg:s6], $0x5FFFF  }
0xaa: {  	[dreg:$0x1] =	wrdreg $0xFFFFFFFF  }
0xab: {  	[dreg:$0x0] =	wrdreg $0x60  }
0xac: {  	[dreg:$0x2] =	wrdreg s0  }
0xad: {  	[dreg:$0x3] =	wrdreg s16  }
0xae: {  	[dreg:$0x4] =	wrdreg s22  }
0xaf: {  	[dreg:$0x5] =	wrdreg $0x69800  }
0xb0: {  	[dreg:$0x6] =	wrdreg $0x9  }
0xb1: {  	_ =	task.clear_ibuf [dreg:s6], $0x7FFFF;
	_ =	strace $0x90000046  }
0xb2: {  	s26 =	simm.s32 $0x9;
	_ =	strace $0x80000048  }
0xb3: {  	_ =	swait.ge [sflag:s26], $0x1  }
0xb4: {  	[sflag:s26] =	ssyncadd.s32 $0xFFFFFFFF  }
0xb5: {  	_ =	strace $0x90000048  }
0xb6: {  	_ =	sfence  }
0xb7: {  	s28 =	sld [smem:$0x0];
	_ =	sdelay $0x1  }
0xb8: {  	s29 =	srdreg.scid  }
0xb9: {  	s30 =	sshll.u32 s29, $0xD;
	s31 =	sshrl.u32 s29, $0x2  }
0xba: {  	s1 =	sand.u32 $0x1, s29;
	s2 =	sand.u32 $0x4000, s30;
	s0 =	sadd.s32 s31, s28  }
0xbb: {  	s1 =	sor.u32 s2, s1;
	s0 =	sshll.u32 s0, $0x11  }
0xbc: {  	s0 =	sor.u32 s0, s1  }
0xbd: {  	s0 =	sadd.s32 $0x8F2B, s0  }
0xbe: {  	[sflag:s0] =	ssyncadd.remote.s32 $0x1  }
0xbf: {  	_ =	sfence.sel $0xFFFF  }
0xc0: {  	[dreg:$0x0] =	wrdreg $0xFFFFFFFF;
	(pc) =	sbr.abs _section_cstart, $3  }
0xc1: {  	[dreg:$0x1] =	wrdreg $0xFFFFFFFF  }
0xc2: {  	_ =	task.clear_ibuf [dreg:s6], $0x2FFFF;
	_ =	strace $0x9FFFFFFF  }
0xc3: {  	(tm) =	ssettm $0x7FFFFFFF  }
tec
execute0_lowered:
.L_overlay_start_1:
0x0: {  	(tag) =	ssettag $0x1  }
0x1: {  	s2 =	rddreg [dreg:$0x0]  }
0x2: {  	s9 =	rddreg [dreg:$0x1]  }
0x3: {  	s10 =	rddreg [dreg:$0x2];
	s0 =	stileid.u32  }
0x4: {  	s3 =	rddreg [dreg:$0x3];
	s5 =	smul.u32 $0x4F000, s0  }
0x5: {  	s1 =	rddreg [dreg:$0x4];
	s4 =	simm.s32 $0x0  }
0x6: {  	[smem:$0x7FF] =	sst s4;
	s5 =	sshrl.u32 s5, $0x2  }
0x7: {  	s30 =	sshll.u32 s0, $0x6;
	s7 =	sadd.s32 $0xB600, s10;
	s6 =	sadd.s32 s5, s3  }
0x8: {  	_ =	strace $0x80000047;
	s5 =	sor.u32 $0x1C02, s30;
	s6 =	sshrl.u32 s6, $0x3  }
0x9: {  	[spmem:s6], [sflag:s5] =	dma.local [hbm:s7], $0x2780  }
0xa: {  	s7 =	simm.s32 $0x2  }
0xb: {  	_ =	swait.ge [sflag:s7], $0x2780  }
0xc: {  	[sflag:s7] =	ssyncset.done $0x0  }
0xd: {  	s8 =	simm.s32 $0x4200;
	s11 =	sadd.s32 $0xB000, s10;
	[sflag:s7] =	ssyncadd.s32 $0xFFFFD880  }
0xe: {  	[tilespmem:s8], [sflag:$0x2] =	stream.linear.gather [hbm4b:s11+s4], $0x2780, $0x38;
	[tilespmem:$0x1A580] =	vst v63  }
0xf: {  	_ =	swait.ge [sflag:s7], $0x2780  }
0x10: {  	[sflag:s7] =	ssyncset.done $0x0  }
0x11: {  	s31 =	sshll.u32 s0, $0x4;
	[sflag:s7] =	ssyncadd.s32 $0xFFFFD880  }
0x12: {  	s9 =	sadd.s32 s9, s31;
	[bflag:$0x0] =	sbarrier.arrive $0xFFFF  }
0x13: {  	[tilespmem:s4], [sflag:$0x2] =	stream.linear.gather [hbm4b:s9+s4], $0x80, $0x38;
	[tilespmem:$0x1A580] =	vst v63  }
0x14: {  	_ =	swait.ge [sflag:s7], $0x80  }
0x15: {  	s12 =	simm.s32 $0x100;
	s11 =	sadd.s32 s31, s10;
	[sflag:s7] =	ssyncset.done $0x0  }
0x16: {  	s14 =	simm.s32 $0xFFFF6200;
	s11 =	sadd.s32 $0x1000, s11;
	[sflag:s7] =	ssyncadd.s32 $0xFFFFFF80  }
0x17: {  	[tilespmem:s12], [sflag:$0x2] =	stream.linear.gather [hbm4b:s11+s4], $0x80, $0x38;
	[tilespmem:$0x1A580] =	vst v63  }
0x18: {  	s15 =	simm.s32 $0x80;
	s16 =	simm.s32 $0x200;
	_ =	swait.ge [sflag:s7], $0x80  }
0x19: {  	s17 =	simm.s32 $0x180;
	s18 =	simm.s32 $0x1;
	[sflag:s7] =	ssyncset.done $0x0  }
0x1a: {  	v0 =	vimm.f32 $1.000000000e+00;
	s13 =	sadd.s32 $0x12E00, s10;
	s10 =	sadd.s32 $0xDE00, s10;
	[sflag:s7] =	ssyncadd.s32 $0xFFFFFF80  }
.LBB2_1:
0x1b: {  	[tilespmem:s16], [sflag:$0x1] =	stream.indirect.gather [hbm4b:s2+s15], $0x80, s4, s15, $0xb8;
	[tilespmem:$0x1A580] =	vst v63  }
0x1c: {  	s19 =	sadd.s32 s14, s9  }
0x1d: {  	s20 =	sadd.s32 $0x9F00, s19  }
0x1e: {  	[tilespmem:s15], [sflag:$0x2] =	stream.linear.gather [hbm4b:s20+s4], $0x80, $0x38;
	[tilespmem:$0x1A580] =	vst v63  }
0x1f: {  	_ =	swait.ge [sflag:s7], $0x80  }
0x20: {  	s30 =	sadd.s32 s14, s11;
	[sflag:s7] =	ssyncset.done $0x0  }
0x21: {  	s21 =	sadd.s32 $0x9F00, s30;
	[sflag:s7] =	ssyncadd.s32 $0xFFFFFF80  }
0x22: {  	[tilespmem:s17], [sflag:$0x2] =	stream.linear.gather [hbm4b:s21+s4], $0x80, $0x38;
	[tilespmem:$0x1A580] =	vst v63  }
0x23: {  	_ =	swait.ge [sflag:s7], $0x80  }
0x24: {  	[sflag:s7] =	ssyncset.done $0x0  }
0x25: {  	[sflag:s7] =	ssyncadd.s32 $0xFFFFFF80  }
0x26: {  	v1 =	vld [tilespmem:$0x100];
	_ =	sdelay $0x7  }
0x27: {  	[tilespmem:v1+s8+$0x0] =	vst.idx.add.f32.msk $0xffff, v0  }
0x28: {  	v1 =	vld [tilespmem:$0x110];
	_ =	sdelay $0x7  }
0x29: {  	[tilespmem:v1+s8+$0x0] =	vst.idx.add.f32.msk $0xffff, v0  }
0x2a: {  	v1 =	vld [tilespmem:$0x120];
	_ =	sdelay $0x7  }
0x2b: {  	[tilespmem:v1+s8+$0x0] =	vst.idx.add.f32.msk $0xffff, v0  }
0x2c: {  	v1 =	vld [tilespmem:$0x130];
	_ =	sdelay $0x7  }
0x2d: {  	[tilespmem:v1+s8+$0x0] =	vst.idx.add.f32.msk $0xffff, v0  }
0x2e: {  	v1 =	vld [tilespmem:$0x140];
	_ =	sdelay $0x7  }
0x2f: {  	[tilespmem:v1+s8+$0x0] =	vst.idx.add.f32.msk $0xffff, v0  }
0x30: {  	v1 =	vld [tilespmem:$0x150];
	_ =	sdelay $0x7  }
0x31: {  	[tilespmem:v1+s8+$0x0] =	vst.idx.add.f32.msk $0xffff, v0  }
0x32: {  	v1 =	vld [tilespmem:$0x160];
	_ =	sdelay $0x7  }
0x33: {  	[tilespmem:v1+s8+$0x0] =	vst.idx.add.f32.msk $0xffff, v0  }
0x34: {  	v1 =	vld [tilespmem:$0x170];
	_ =	sdelay $0x7  }
0x35: {  	[tilespmem:v1+s8+$0x0] =	vst.idx.add.f32.msk $0xffff, v0  }
0x36: {  	_ =	swait.ge [sflag:s18], $0x4000  }
0x37: {  	[sflag:s18] =	ssyncset.done $0x0  }
0x38: {  	[sflag:s18] =	ssyncadd.s32 $0xFFFFC000  }
0x39: {  	[spmem:s3] =	stream.indirect.scatter.add.f32 [tilespmem:s16], [sflag:$0x2], $0x80, s12, s15, $0xb8;
	[tilespmem:$0x1A580] =	vst v63  }
0x3a: {  	_ =	swait.ge [sflag:s7], $0x4000  }
0x3b: {  	[sflag:s7] =	ssyncset.done $0x0  }
0x3c: {  	[sflag:s7] =	ssyncadd.s32 $0xFFFFC000  }
0x3d: {  	[tilespmem:s16], [sflag:$0x1] =	stream.indirect.gather [hbm4b:s2+s15], $0x80, s15, s15, $0xb8;
	[tilespmem:$0x1A580] =	vst v63  }
0x3e: {  	s19 =	sadd.s32 $0xA000, s19  }
0x3f: {  	[tilespmem:s4], [sflag:$0x2] =	stream.linear.gather [hbm4b:s19+s4], $0x80, $0x38;
	[tilespmem:$0x1A580] =	vst v63  }
0x40: {  	_ =	swait.ge [sflag:s7], $0x80  }
0x41: {  	[sflag:s7] =	ssyncset.done $0x0  }
0x42: {  	s31 =	sadd.s32 $0xA000, s30;
	[sflag:s7] =	ssyncadd.s32 $0xFFFFFF80  }
0x43: {  	[tilespmem:s12], [sflag:$0x2] =	stream.linear.gather [hbm4b:s31+s4], $0x80, $0x38;
	[tilespmem:$0x1A580] =	vst v63  }
0x44: {  	_ =	swait.ge [sflag:s7], $0x80  }
0x45: {  	[sflag:s7] =	ssyncset.done $0x0  }
0x46: {  	[sflag:s7] =	ssyncadd.s32 $0xFFFFFF80  }
0x47: {  	v1 =	vld [tilespmem:$0x180];
	_ =	sdelay $0x7  }
0x48: {  	[tilespmem:v1+s8+$0x0] =	vst.idx.add.f32.msk $0xffff, v0  }
0x49: {  	v1 =	vld [tilespmem:$0x190];
	_ =	sdelay $0x7  }
0x4a: {  	[tilespmem:v1+s8+$0x0] =	vst.idx.add.f32.msk $0xffff, v0  }
0x4b: {  	v1 =	vld [tilespmem:$0x1A0];
	_ =	sdelay $0x7  }
0x4c: {  	[tilespmem:v1+s8+$0x0] =	vst.idx.add.f32.msk $0xffff, v0  }
0x4d: {  	v1 =	vld [tilespmem:$0x1B0];
	_ =	sdelay $0x7  }
0x4e: {  	[tilespmem:v1+s8+$0x0] =	vst.idx.add.f32.msk $0xffff, v0  }
0x4f: {  	v1 =	vld [tilespmem:$0x1C0];
	_ =	sdelay $0x7  }
0x50: {  	[tilespmem:v1+s8+$0x0] =	vst.idx.add.f32.msk $0xffff, v0  }
0x51: {  	v1 =	vld [tilespmem:$0x1D0];
	_ =	sdelay $0x7  }
0x52: {  	[tilespmem:v1+s8+$0x0] =	vst.idx.add.f32.msk $0xffff, v0  }
0x53: {  	v1 =	vld [tilespmem:$0x1E0];
	_ =	sdelay $0x7  }
0x54: {  	[tilespmem:v1+s8+$0x0] =	vst.idx.add.f32.msk $0xffff, v0  }
0x55: {  	v1 =	vld [tilespmem:$0x1F0];
	_ =	sdelay $0x7  }
0x56: {  	[tilespmem:v1+s8+$0x0] =	vst.idx.add.f32.msk $0xffff, v0  }
0x57: {  	_ =	swait.ge [sflag:s18], $0x4000  }
0x58: {  	p0 =	sne.s32 s14, $0xFFFFFE00;
	[sflag:s18] =	ssyncset.done $0x0  }
.Ltmp0:
0x59: {  	[sflag:s18] =	ssyncadd.s32 $0xFFFFC000;
	(pc) =	sbr.rel @p0 .LBB2_1-.Ltmp0, $4  }
0x5a: {  	[spmem:s3] =	stream.indirect.scatter.add.f32 [tilespmem:s16], [sflag:$0x2], $0x80, s17, s15, $0xb8;
	[tilespmem:$0x1A580] =	vst v63  }
0x5b: {  	_ =	swait.ge [sflag:s7], $0x4000  }
0x5c: {  	[sflag:s7] =	ssyncset.done $0x0  }
0x5d: {  	s14 =	sadd.s32 $0x200, s14;
	[sflag:s7] =	ssyncadd.s32 $0xFFFFC000  }
0x5e: {  	s2 =	smul.u32 $0x2780, s0;
	_ =	sdelay $0x1  }
0x5f: {  	[bflag:$0x0] =	sbarrier.arrive $0xFFFF;
	s3 =	simm.s32 $0x2;
	s2 =	sadd.s32 s13, s2  }
0x60: {  	[hbm:s2], [sflag:s5] =	dma.local [spmem:s6], $0x2780  }
0x61: {  	s30 =	smul.u32 $0x4F0, s0;
	_ =	swait.ge [sflag:s3], $0x2780  }
0x62: {  	s4 =	simm.s32 $0x0;
	[sflag:s3] =	ssyncset.done $0x0  }
0x63: {  	s31 =	simm.s32 $0x4200;
	s2 =	sadd.s32 s10, s30;
	[sflag:s3] =	ssyncadd.s32 $0xFFFFD880  }
0x64: {  	[hbm4b:s2+s4] =	stream.linear.scatter [tilespmem:s31], [sflag:$0x2], $0x2780, $0x38;
	[tilespmem:$0x1A580] =	vst v63  }
0x65: {  	_ =	swait.ge [sflag:s3], $0x2780  }
0x66: {  	[sflag:s3] =	ssyncset.done $0x0  }
0x67: {  	[sflag:s3] =	ssyncadd.s32 $0xFFFFD880  }
0x68: {  	_ =	sfence.sel $0x180000  }
0x69: {  	[bflag:$0x0] =	sbarrier.arrive $0xFFFF  }
0x6a: {  	p0 =	sne.s32 s0, $0x0;
	_ =	strace $0x90000047  }
0x6b: {  	s0 =	sadd.s32 @!p0 $0x100000, s1;
	[bflag:$0x2] =	sbarrier.arrive $0xFFFF  }
0x6c: {  	[sflag:s0] =	ssyncadd.tile.s32 @!p0 $0x1;
	_ =	shalt  }
.Lfunc_end2:
_tile_overlayer_lowered:
.L_overlay_start_2:
0x6d: {  	(tag) =	ssettag $0x2  }
0x6e: {  	s0 =	rddreg [dreg:$0x0];
	s2 =	stileid.u32  }
0x6f: {  	s1 =	rddreg [dreg:$0x1];
	p0 =	sne.s32 s2, $0x0  }
0x70: {  	s3 =	rddreg [dreg:$0x2];
	[bflag:$0x3] =	sbarrier.arrive $0xFFFF;
	s2 =	simm.s32 @!p0 $0x1C02  }
0x71: {  	[timem:s3], [sflag:s2] =	dma.local @!p0 [hbm:s0], s1  }
0x72: {  	s0 =	simm.s32 @!p0 $0x2  }
0x73: {  	_ =	swait.ge @!p0 [sflag:s0], s1  }
0x74: {  	s1 =	ssub.s32 @!p0 $0x0, s1;
	[sflag:s0] =	ssyncset.done @!p0 $0x0  }
0x75: {  	[sflag:s0] =	ssyncadd.s32 @!p0 s1  }
0x76: {  	[bflag:$0x3] =	sbarrier.arrive $0xFFFF  }
0x77: {  	_ =	shalt  }

</sc_bundles>
